<compile_context>
chip_gen: v7x
topology: tpu7x:2x2x1
jax: 0.10.2.dev20260603
libtpu: 0.0.44.dev20260713+nightly
codegen_flags: <defaults>
</compile_context>

<pallas_src>
import jax
import jax.numpy as jnp
from jax.experimental import pallas as pl
from jax.experimental.pallas import tpu as pltpu

_LEN_KEEP = 512
_SEQ = 1024
_FEAT = 16
_SCHUNK = 128
_NJ = _SEQ // _SCHUNK


def _mask_apply_kernel(bits_ref, patch_ref, out_ref, mask_ref, t_ref, i2_ref):
    r = bits_ref.shape[0]
    j = pl.program_id(1)

    @pl.when(j == 0)
    def _compute_thresholds():
        bits = bits_ref[...]
        prefix = jnp.zeros((r, 1), jnp.int32)
        for bit in range(29, -1, -1):
            cand = prefix | (1 << bit)
            cnt = jnp.sum((bits < cand).astype(jnp.int32), axis=-1,
                          keepdims=True)
            prefix = jnp.where(cnt <= _LEN_KEEP, cand, prefix)
        t = prefix
        cnt_less = jnp.sum((bits < t).astype(jnp.int32), axis=-1,
                           keepdims=True)
        m = _LEN_KEEP - cnt_less
        eq = bits == t
        idx = jax.lax.broadcasted_iota(jnp.int32, bits.shape, 1)
        prefix2 = jnp.zeros((r, 1), jnp.int32)
        for bit in range(10, -1, -1):
            cand = prefix2 | (1 << bit)
            cnt = jnp.sum((eq & (idx < cand)).astype(jnp.int32), axis=-1,
                          keepdims=True)
            prefix2 = jnp.where(cnt <= m, cand, prefix2)
        t_ref[...] = t
        i2_ref[...] = prefix2

    t = t_ref[...]
    pre2 = i2_ref[...]
    bits_blk = bits_ref[:, pl.ds(j * _SCHUNK, _SCHUNK)]
    idx = j * _SCHUNK + jax.lax.broadcasted_iota(jnp.int32, bits_blk.shape, 1)
    mask_blk = (bits_blk > t) | ((bits_blk == t) & (idx >= pre2))
    mask_f = mask_blk.astype(jnp.float32)
    mask_ref[...] = mask_f
    col = jax.lax.broadcasted_iota(jnp.int32, (_SCHUNK, _SCHUNK * _FEAT), 1)
    row = jax.lax.broadcasted_iota(jnp.int32, (_SCHUNK, _SCHUNK * _FEAT), 0)
    expand = ((col // _FEAT) == row).astype(jnp.float32)
    mask16 = jnp.dot(mask_f, expand, preferred_element_type=jnp.float32)
    out_ref[...] = jnp.where(mask16 == 0, patch_ref[...], jnp.float32(0))


def kernel(patch_input):
    b, c, s, f = patch_input.shape
    rows = b * c
    nkey = jax.random.fold_in(jax.random.key(0), 1)
    noise = jax.random.uniform(nkey, (b, c, s), dtype=jnp.float32)
    bits = jax.lax.bitcast_convert_type(noise, jnp.int32).reshape(rows, s)
    patch = patch_input.reshape(rows, s * f)

    blk_rows = 64
    grid = (rows // blk_rows, _NJ)
    out, mask = pl.pallas_call(
        _mask_apply_kernel,
        grid=grid,
        in_specs=[
            pl.BlockSpec((blk_rows, s), lambda i, j: (i, 0)),
            pl.BlockSpec((blk_rows, _SCHUNK * f), lambda i, j: (i, j)),
        ],
        out_specs=[
            pl.BlockSpec((blk_rows, _SCHUNK * f), lambda i, j: (i, j)),
            pl.BlockSpec((blk_rows, _SCHUNK), lambda i, j: (i, j)),
        ],
        out_shape=[
            jax.ShapeDtypeStruct((rows, s * f), jnp.float32),
            jax.ShapeDtypeStruct((rows, s), jnp.float32),
        ],
        scratch_shapes=[
            pltpu.VMEM((blk_rows, 1), jnp.int32),
            pltpu.VMEM((blk_rows, 1), jnp.int32),
        ],
    )(bits, patch)
    return out.reshape(b, c, s, f), mask.reshape(b, c, s)

# --- scband reference (transcript-rebuilt; emitter-appended) ---
"""Pipeline reference for scband-patch-tsmixer-masking-5497558139350 (READ-ONLY COPY).

The authoritative reference and input builder live on the scoring server;
editing this copy changes nothing except your own understanding.
"""

import jax, jax.numpy as jnp
import numpy as np

MASK_RATIO = 0.5
MASK_VALUE = 0

def setup_inputs(seed: int = 0) -> dict:
    key = jax.random.key(seed)
    patch_input = jax.random.normal(key, (64, 32, 1024, 16), dtype=jnp.float32)
    return {"patch_input": patch_input}

def reference(patch_input):
    # random_masking with channel_consistent_masking=False, unmasked_channel_indices=None
    batch_size, num_channels, sequence_length, num_features = patch_input.shape
    len_keep = int(sequence_length * (1 - MASK_RATIO))
    nkey = jax.random.fold_in(jax.random.key(0), 1)
    noise = jax.random.uniform(nkey, (batch_size, num_channels, sequence_length), dtype=jnp.float32)
    mask = jnp.ones((batch_size, num_channels, sequence_length), dtype=jnp.float32)
    mask = mask.at[:, :, :len_keep].set(0.0)
    ids_shuffle = jnp.argsort(noise, axis=-1)
    ids_restore = jnp.argsort(ids_shuffle, axis=-1)
    mask = jnp.take_along_axis(mask, ids_restore, axis=-1)
    mask_full = jnp.repeat(mask[..., None], num_features, axis=-1)
    inputs_mask = jnp.where(mask_full.astype(bool), jnp.float32(MASK_VALUE), patch_input)
    return (inputs_mask, mask_full[..., 0])

if __name__ == "__main__":
    import jax
    _d = setup_inputs()
    print(jax.jit(kernel)(*tuple(_d.values())))

</pallas_src>

<mosaic_0001>
module attributes {stable_mosaic.version = 14 : i64} {
  func.func @_mask_apply_kernel(%arg0: i32, %arg1: i32, %arg2: memref<64x1024xi32, #tpu.memory_space<vmem>>, %arg3: memref<64x2048xf32, #tpu.memory_space<vmem>>, %arg4: memref<64x2048xf32, #tpu.memory_space<vmem>>, %arg5: memref<64x128xf32, #tpu.memory_space<vmem>>, %arg6: memref<64x1xi32, #tpu.memory_space<vmem>>, %arg7: memref<64x1xi32, #tpu.memory_space<vmem>>) attributes {dimension_semantics = [#tpu.dimension_semantics<arbitrary>, #tpu.dimension_semantics<arbitrary>], iteration_bounds = array<i64: 32, 8>, scalar_prefetch = 0 : i64, scratch_operands = 2 : i64, tpu.core_type = #tpu.core_type<tc>, window_params = [{transform_indices = @transform_0, window_bounds = array<i64: 64, 1024>}, {transform_indices = @transform_1, window_bounds = array<i64: 64, 2048>}, {transform_indices = @transform_2, window_bounds = array<i64: 64, 2048>}, {transform_indices = @transform_3, window_bounds = array<i64: 64, 128>}]} {
    %eq3A = arith.constant 0 : i32
    %eq3A_0 = arith.cmpi eq, %arg1, %eq3A : i32
    %convert_element_type3A = arith.extui %eq3A_0 : i1 to i32
    %cond3A = arith.constant 0 : i32
    %cond3A_1 = arith.cmpi ne, %convert_element_type3A, %cond3A : i32
    scf.if %cond3A_1 {
      %get3A_63 = arith.constant 0 : index
      %get3A_64 = arith.constant 0 : index
      %get3A_65 = vector.load %arg2[%get3A_63, %get3A_64] : memref<64x1024xi32, #tpu.memory_space<vmem>>, vector<64x1024xi32>
      %broadcast_in_dim3A_66 = arith.constant 0 : i32
      %broadcast_in_dim3A_67 = vector.broadcast %broadcast_in_dim3A_66 : i32 to vector<64x1xi32>
      %or3A_68 = arith.constant 536870912 : i32
      %or3A_69 = vector.broadcast %or3A_68 : i32 to vector<64x1xi32>
      %or3A_70 = arith.ori %broadcast_in_dim3A_67, %or3A_69 : vector<64x1xi32>
      %lt3A = vector.broadcast %or3A_70 : vector<64x1xi32> to vector<64x1024xi32>
      %lt3A_71 = arith.cmpi slt, %get3A_65, %lt3A : vector<64x1024xi32>
      %convert_element_type3A_72 = arith.extui %lt3A_71 : vector<64x1024xi1> to vector<64x1024xi32>
      %reduce_sum3A = arith.constant dense<0> : vector<64xi32>
      %reduce_sum3A_73 = vector.multi_reduction <add>, %convert_element_type3A_72, %reduce_sum3A [1] : vector<64x1024xi32> to vector<64xi32>
      %broadcast_in_dim3A_74 = vector.shape_cast %reduce_sum3A_73 : vector<64xi32> to vector<64x1xi32>
      %le3A = arith.constant 512 : i32
      %le3A_75 = vector.broadcast %le3A : i32 to vector<64x1xi32>
      %le3A_76 = arith.cmpi sle, %broadcast_in_dim3A_74, %le3A_75 : vector<64x1xi32>
      %select_n3A_77 = arith.select %le3A_76, %or3A_70, %broadcast_in_dim3A_67 : vector<64x1xi1>, vector<64x1xi32>
      %or3A_78 = arith.constant 268435456 : i32
      %or3A_79 = vector.broadcast %or3A_78 : i32 to vector<64x1xi32>
      %or3A_80 = arith.ori %select_n3A_77, %or3A_79 : vector<64x1xi32>
      %lt3A_81 = vector.broadcast %or3A_80 : vector<64x1xi32> to vector<64x1024xi32>
      %lt3A_82 = arith.cmpi slt, %get3A_65, %lt3A_81 : vector<64x1024xi32>
      %convert_element_type3A_83 = arith.extui %lt3A_82 : vector<64x1024xi1> to vector<64x1024xi32>
      %reduce_sum3A_84 = arith.constant dense<0> : vector<64xi32>
      %reduce_sum3A_85 = vector.multi_reduction <add>, %convert_element_type3A_83, %reduce_sum3A_84 [1] : vector<64x1024xi32> to vector<64xi32>
      %broadcast_in_dim3A_86 = vector.shape_cast %reduce_sum3A_85 : vector<64xi32> to vector<64x1xi32>
      %le3A_87 = arith.constant 512 : i32
      %le3A_88 = vector.broadcast %le3A_87 : i32 to vector<64x1xi32>
      %le3A_89 = arith.cmpi sle, %broadcast_in_dim3A_86, %le3A_88 : vector<64x1xi32>
      %select_n3A_90 = arith.select %le3A_89, %or3A_80, %select_n3A_77 : vector<64x1xi1>, vector<64x1xi32>
      %or3A_91 = arith.constant 134217728 : i32
      %or3A_92 = vector.broadcast %or3A_91 : i32 to vector<64x1xi32>
      %or3A_93 = arith.ori %select_n3A_90, %or3A_92 : vector<64x1xi32>
      %lt3A_94 = vector.broadcast %or3A_93 : vector<64x1xi32> to vector<64x1024xi32>
      %lt3A_95 = arith.cmpi slt, %get3A_65, %lt3A_94 : vector<64x1024xi32>
      %convert_element_type3A_96 = arith.extui %lt3A_95 : vector<64x1024xi1> to vector<64x1024xi32>
      %reduce_sum3A_97 = arith.constant dense<0> : vector<64xi32>
      %reduce_sum3A_98 = vector.multi_reduction <add>, %convert_element_type3A_96, %reduce_sum3A_97 [1] : vector<64x1024xi32> to vector<64xi32>
      %broadcast_in_dim3A_99 = vector.shape_cast %reduce_sum3A_98 : vector<64xi32> to vector<64x1xi32>
      %le3A_100 = arith.constant 512 : i32
      %le3A_101 = vector.broadcast %le3A_100 : i32 to vector<64x1xi32>
      %le3A_102 = arith.cmpi sle, %broadcast_in_dim3A_99, %le3A_101 : vector<64x1xi32>
      %select_n3A_103 = arith.select %le3A_102, %or3A_93, %select_n3A_90 : vector<64x1xi1>, vector<64x1xi32>
      %or3A_104 = arith.constant 67108864 : i32
      %or3A_105 = vector.broadcast %or3A_104 : i32 to vector<64x1xi32>
      %or3A_106 = arith.ori %select_n3A_103, %or3A_105 : vector<64x1xi32>
      %lt3A_107 = vector.broadcast %or3A_106 : vector<64x1xi32> to vector<64x1024xi32>
      %lt3A_108 = arith.cmpi slt, %get3A_65, %lt3A_107 : vector<64x1024xi32>
      %convert_element_type3A_109 = arith.extui %lt3A_108 : vector<64x1024xi1> to vector<64x1024xi32>
      %reduce_sum3A_110 = arith.constant dense<0> : vector<64xi32>
      %reduce_sum3A_111 = vector.multi_reduction <add>, %convert_element_type3A_109, %reduce_sum3A_110 [1] : vector<64x1024xi32> to vector<64xi32>
      %broadcast_in_dim3A_112 = vector.shape_cast %reduce_sum3A_111 : vector<64xi32> to vector<64x1xi32>
      %le3A_113 = arith.constant 512 : i32
      %le3A_114 = vector.broadcast %le3A_113 : i32 to vector<64x1xi32>
      %le3A_115 = arith.cmpi sle, %broadcast_in_dim3A_112, %le3A_114 : vector<64x1xi32>
      %select_n3A_116 = arith.select %le3A_115, %or3A_106, %select_n3A_103 : vector<64x1xi1>, vector<64x1xi32>
      %or3A_117 = arith.constant 33554432 : i32
      %or3A_118 = vector.broadcast %or3A_117 : i32 to vector<64x1xi32>
      %or3A_119 = arith.ori %select_n3A_116, %or3A_118 : vector<64x1xi32>
      %lt3A_120 = vector.broadcast %or3A_119 : vector<64x1xi32> to vector<64x1024xi32>
      %lt3A_121 = arith.cmpi slt, %get3A_65, %lt3A_120 : vector<64x1024xi32>
      %convert_element_type3A_122 = arith.extui %lt3A_121 : vector<64x1024xi1> to vector<64x1024xi32>
      %reduce_sum3A_123 = arith.constant dense<0> : vector<64xi32>
      %reduce_sum3A_124 = vector.multi_reduction <add>, %convert_element_type3A_122, %reduce_sum3A_123 [1] : vector<64x1024xi32> to vector<64xi32>
      %broadcast_in_dim3A_125 = vector.shape_cast %reduce_sum3A_124 : vector<64xi32> to vector<64x1xi32>
      %le3A_126 = arith.constant 512 : i32
      %le3A_127 = vector.broadcast %le3A_126 : i32 to vector<64x1xi32>
      %le3A_128 = arith.cmpi sle, %broadcast_in_dim3A_125, %le3A_127 : vector<64x1xi32>
      %select_n3A_129 = arith.select %le3A_128, %or3A_119, %select_n3A_116 : vector<64x1xi1>, vector<64x1xi32>
      %or3A_130 = arith.constant 16777216 : i32
      %or3A_131 = vector.broadcast %or3A_130 : i32 to vector<64x1xi32>
      %or3A_132 = arith.ori %select_n3A_129, %or3A_131 : vector<64x1xi32>
      %lt3A_133 = vector.broadcast %or3A_132 : vector<64x1xi32> to vector<64x1024xi32>
      %lt3A_134 = arith.cmpi slt, %get3A_65, %lt3A_133 : vector<64x1024xi32>
      %convert_element_type3A_135 = arith.extui %lt3A_134 : vector<64x1024xi1> to vector<64x1024xi32>
      %reduce_sum3A_136 = arith.constant dense<0> : vector<64xi32>
      %reduce_sum3A_137 = vector.multi_reduction <add>, %convert_element_type3A_135, %reduce_sum3A_136 [1] : vector<64x1024xi32> to vector<64xi32>
      %broadcast_in_dim3A_138 = vector.shape_cast %reduce_sum3A_137 : vector<64xi32> to vector<64x1xi32>
      %le3A_139 = arith.constant 512 : i32
      %le3A_140 = vector.broadcast %le3A_139 : i32 to vector<64x1xi32>
      %le3A_141 = arith.cmpi sle, %broadcast_in_dim3A_138, %le3A_140 : vector<64x1xi32>
      %select_n3A_142 = arith.select %le3A_141, %or3A_132, %select_n3A_129 : vector<64x1xi1>, vector<64x1xi32>
      %or3A_143 = arith.constant 8388608 : i32
      %or3A_144 = vector.broadcast %or3A_143 : i32 to vector<64x1xi32>
      %or3A_145 = arith.ori %select_n3A_142, %or3A_144 : vector<64x1xi32>
      %lt3A_146 = vector.broadcast %or3A_145 : vector<64x1xi32> to vector<64x1024xi32>
      %lt3A_147 = arith.cmpi slt, %get3A_65, %lt3A_146 : vector<64x1024xi32>
      %convert_element_type3A_148 = arith.extui %lt3A_147 : vector<64x1024xi1> to vector<64x1024xi32>
      %reduce_sum3A_149 = arith.constant dense<0> : vector<64xi32>
      %reduce_sum3A_150 = vector.multi_reduction <add>, %convert_element_type3A_148, %reduce_sum3A_149 [1] : vector<64x1024xi32> to vector<64xi32>
      %broadcast_in_dim3A_151 = vector.shape_cast %reduce_sum3A_150 : vector<64xi32> to vector<64x1xi32>
      %le3A_152 = arith.constant 512 : i32
      %le3A_153 = vector.broadcast %le3A_152 : i32 to vector<64x1xi32>
      %le3A_154 = arith.cmpi sle, %broadcast_in_dim3A_151, %le3A_153 : vector<64x1xi32>
      %select_n3A_155 = arith.select %le3A_154, %or3A_145, %select_n3A_142 : vector<64x1xi1>, vector<64x1xi32>
      %or3A_156 = arith.constant 4194304 : i32
      %or3A_157 = vector.broadcast %or3A_156 : i32 to vector<64x1xi32>
      %or3A_158 = arith.ori %select_n3A_155, %or3A_157 : vector<64x1xi32>
      %lt3A_159 = vector.broadcast %or3A_158 : vector<64x1xi32> to vector<64x1024xi32>
      %lt3A_160 = arith.cmpi slt, %get3A_65, %lt3A_159 : vector<64x1024xi32>
      %convert_element_type3A_161 = arith.extui %lt3A_160 : vector<64x1024xi1> to vector<64x1024xi32>
      %reduce_sum3A_162 = arith.constant dense<0> : vector<64xi32>
      %reduce_sum3A_163 = vector.multi_reduction <add>, %convert_element_type3A_161, %reduce_sum3A_162 [1] : vector<64x1024xi32> to vector<64xi32>
      %broadcast_in_dim3A_164 = vector.shape_cast %reduce_sum3A_163 : vector<64xi32> to vector<64x1xi32>
      %le3A_165 = arith.constant 512 : i32
      %le3A_166 = vector.broadcast %le3A_165 : i32 to vector<64x1xi32>
      %le3A_167 = arith.cmpi sle, %broadcast_in_dim3A_164, %le3A_166 : vector<64x1xi32>
      %select_n3A_168 = arith.select %le3A_167, %or3A_158, %select_n3A_155 : vector<64x1xi1>, vector<64x1xi32>
      %or3A_169 = arith.constant 2097152 : i32
      %or3A_170 = vector.broadcast %or3A_169 : i32 to vector<64x1xi32>
      %or3A_171 = arith.ori %select_n3A_168, %or3A_170 : vector<64x1xi32>
      %lt3A_172 = vector.broadcast %or3A_171 : vector<64x1xi32> to vector<64x1024xi32>
      %lt3A_173 = arith.cmpi slt, %get3A_65, %lt3A_172 : vector<64x1024xi32>
      %convert_element_type3A_174 = arith.extui %lt3A_173 : vector<64x1024xi1> to vector<64x1024xi32>
      %reduce_sum3A_175 = arith.constant dense<0> : vector<64xi32>
      %reduce_sum3A_176 = vector.multi_reduction <add>, %convert_element_type3A_174, %reduce_sum3A_175 [1] : vector<64x1024xi32> to vector<64xi32>
      %broadcast_in_dim3A_177 = vector.shape_cast %reduce_sum3A_176 : vector<64xi32> to vector<64x1xi32>
      %le3A_178 = arith.constant 512 : i32
      %le3A_179 = vector.broadcast %le3A_178 : i32 to vector<64x1xi32>
      %le3A_180 = arith.cmpi sle, %broadcast_in_dim3A_177, %le3A_179 : vector<64x1xi32>
      %select_n3A_181 = arith.select %le3A_180, %or3A_171, %select_n3A_168 : vector<64x1xi1>, vector<64x1xi32>
      %or3A_182 = arith.constant 1048576 : i32
      %or3A_183 = vector.broadcast %or3A_182 : i32 to vector<64x1xi32>
      %or3A_184 = arith.ori %select_n3A_181, %or3A_183 : vector<64x1xi32>
      %lt3A_185 = vector.broadcast %or3A_184 : vector<64x1xi32> to vector<64x1024xi32>
      %lt3A_186 = arith.cmpi slt, %get3A_65, %lt3A_185 : vector<64x1024xi32>
      %convert_element_type3A_187 = arith.extui %lt3A_186 : vector<64x1024xi1> to vector<64x1024xi32>
      %reduce_sum3A_188 = arith.constant dense<0> : vector<64xi32>
      %reduce_sum3A_189 = vector.multi_reduction <add>, %convert_element_type3A_187, %reduce_sum3A_188 [1] : vector<64x1024xi32> to vector<64xi32>
      %broadcast_in_dim3A_190 = vector.shape_cast %reduce_sum3A_189 : vector<64xi32> to vector<64x1xi32>
      %le3A_191 = arith.constant 512 : i32
      %le3A_192 = vector.broadcast %le3A_191 : i32 to vector<64x1xi32>
      %le3A_193 = arith.cmpi sle, %broadcast_in_dim3A_190, %le3A_192 : vector<64x1xi32>
      %select_n3A_194 = arith.select %le3A_193, %or3A_184, %select_n3A_181 : vector<64x1xi1>, vector<64x1xi32>
      %or3A_195 = arith.constant 524288 : i32
      %or3A_196 = vector.broadcast %or3A_195 : i32 to vector<64x1xi32>
      %or3A_197 = arith.ori %select_n3A_194, %or3A_196 : vector<64x1xi32>
      %lt3A_198 = vector.broadcast %or3A_197 : vector<64x1xi32> to vector<64x1024xi32>
      %lt3A_199 = arith.cmpi slt, %get3A_65, %lt3A_198 : vector<64x1024xi32>
      %convert_element_type3A_200 = arith.extui %lt3A_199 : vector<64x1024xi1> to vector<64x1024xi32>
      %reduce_sum3A_201 = arith.constant dense<0> : vector<64xi32>
      %reduce_sum3A_202 = vector.multi_reduction <add>, %convert_element_type3A_200, %reduce_sum3A_201 [1] : vector<64x1024xi32> to vector<64xi32>
      %broadcast_in_dim3A_203 = vector.shape_cast %reduce_sum3A_202 : vector<64xi32> to vector<64x1xi32>
      %le3A_204 = arith.constant 512 : i32
      %le3A_205 = vector.broadcast %le3A_204 : i32 to vector<64x1xi32>
      %le3A_206 = arith.cmpi sle, %broadcast_in_dim3A_203, %le3A_205 : vector<64x1xi32>
      %select_n3A_207 = arith.select %le3A_206, %or3A_197, %select_n3A_194 : vector<64x1xi1>, vector<64x1xi32>
      %or3A_208 = arith.constant 262144 : i32
      %or3A_209 = vector.broadcast %or3A_208 : i32 to vector<64x1xi32>
      %or3A_210 = arith.ori %select_n3A_207, %or3A_209 : vector<64x1xi32>
      %lt3A_211 = vector.broadcast %or3A_210 : vector<64x1xi32> to vector<64x1024xi32>
      %lt3A_212 = arith.cmpi slt, %get3A_65, %lt3A_211 : vector<64x1024xi32>
      %convert_element_type3A_213 = arith.extui %lt3A_212 : vector<64x1024xi1> to vector<64x1024xi32>
      %reduce_sum3A_214 = arith.constant dense<0> : vector<64xi32>
      %reduce_sum3A_215 = vector.multi_reduction <add>, %convert_element_type3A_213, %reduce_sum3A_214 [1] : vector<64x1024xi32> to vector<64xi32>
      %broadcast_in_dim3A_216 = vector.shape_cast %reduce_sum3A_215 : vector<64xi32> to vector<64x1xi32>
      %le3A_217 = arith.constant 512 : i32
      %le3A_218 = vector.broadcast %le3A_217 : i32 to vector<64x1xi32>
      %le3A_219 = arith.cmpi sle, %broadcast_in_dim3A_216, %le3A_218 : vector<64x1xi32>
      %select_n3A_220 = arith.select %le3A_219, %or3A_210, %select_n3A_207 : vector<64x1xi1>, vector<64x1xi32>
      %or3A_221 = arith.constant 131072 : i32
      %or3A_222 = vector.broadcast %or3A_221 : i32 to vector<64x1xi32>
      %or3A_223 = arith.ori %select_n3A_220, %or3A_222 : vector<64x1xi32>
      %lt3A_224 = vector.broadcast %or3A_223 : vector<64x1xi32> to vector<64x1024xi32>
      %lt3A_225 = arith.cmpi slt, %get3A_65, %lt3A_224 : vector<64x1024xi32>
      %convert_element_type3A_226 = arith.extui %lt3A_225 : vector<64x1024xi1> to vector<64x1024xi32>
      %reduce_sum3A_227 = arith.constant dense<0> : vector<64xi32>
      %reduce_sum3A_228 = vector.multi_reduction <add>, %convert_element_type3A_226, %reduce_sum3A_227 [1] : vector<64x1024xi32> to vector<64xi32>
      %broadcast_in_dim3A_229 = vector.shape_cast %reduce_sum3A_228 : vector<64xi32> to vector<64x1xi32>
      %le3A_230 = arith.constant 512 : i32
      %le3A_231 = vector.broadcast %le3A_230 : i32 to vector<64x1xi32>
      %le3A_232 = arith.cmpi sle, %broadcast_in_dim3A_229, %le3A_231 : vector<64x1xi32>
      %select_n3A_233 = arith.select %le3A_232, %or3A_223, %select_n3A_220 : vector<64x1xi1>, vector<64x1xi32>
      %or3A_234 = arith.constant 65536 : i32
      %or3A_235 = vector.broadcast %or3A_234 : i32 to vector<64x1xi32>
      %or3A_236 = arith.ori %select_n3A_233, %or3A_235 : vector<64x1xi32>
      %lt3A_237 = vector.broadcast %or3A_236 : vector<64x1xi32> to vector<64x1024xi32>
      %lt3A_238 = arith.cmpi slt, %get3A_65, %lt3A_237 : vector<64x1024xi32>
      %convert_element_type3A_239 = arith.extui %lt3A_238 : vector<64x1024xi1> to vector<64x1024xi32>
      %reduce_sum3A_240 = arith.constant dense<0> : vector<64xi32>
      %reduce_sum3A_241 = vector.multi_reduction <add>, %convert_element_type3A_239, %reduce_sum3A_240 [1] : vector<64x1024xi32> to vector<64xi32>
      %broadcast_in_dim3A_242 = vector.shape_cast %reduce_sum3A_241 : vector<64xi32> to vector<64x1xi32>
      %le3A_243 = arith.constant 512 : i32
      %le3A_244 = vector.broadcast %le3A_243 : i32 to vector<64x1xi32>
      %le3A_245 = arith.cmpi sle, %broadcast_in_dim3A_242, %le3A_244 : vector<64x1xi32>
      %select_n3A_246 = arith.select %le3A_245, %or3A_236, %select_n3A_233 : vector<64x1xi1>, vector<64x1xi32>
      %or3A_247 = arith.constant 32768 : i32
      %or3A_248 = vector.broadcast %or3A_247 : i32 to vector<64x1xi32>
      %or3A_249 = arith.ori %select_n3A_246, %or3A_248 : vector<64x1xi32>
      %lt3A_250 = vector.broadcast %or3A_249 : vector<64x1xi32> to vector<64x1024xi32>
      %lt3A_251 = arith.cmpi slt, %get3A_65, %lt3A_250 : vector<64x1024xi32>
      %convert_element_type3A_252 = arith.extui %lt3A_251 : vector<64x1024xi1> to vector<64x1024xi32>
      %reduce_sum3A_253 = arith.constant dense<0> : vector<64xi32>
      %reduce_sum3A_254 = vector.multi_reduction <add>, %convert_element_type3A_252, %reduce_sum3A_253 [1] : vector<64x1024xi32> to vector<64xi32>
      %broadcast_in_dim3A_255 = vector.shape_cast %reduce_sum3A_254 : vector<64xi32> to vector<64x1xi32>
      %le3A_256 = arith.constant 512 : i32
      %le3A_257 = vector.broadcast %le3A_256 : i32 to vector<64x1xi32>
      %le3A_258 = arith.cmpi sle, %broadcast_in_dim3A_255, %le3A_257 : vector<64x1xi32>
      %select_n3A_259 = arith.select %le3A_258, %or3A_249, %select_n3A_246 : vector<64x1xi1>, vector<64x1xi32>
      %or3A_260 = arith.constant 16384 : i32
      %or3A_261 = vector.broadcast %or3A_260 : i32 to vector<64x1xi32>
      %or3A_262 = arith.ori %select_n3A_259, %or3A_261 : vector<64x1xi32>
      %lt3A_263 = vector.broadcast %or3A_262 : vector<64x1xi32> to vector<64x1024xi32>
      %lt3A_264 = arith.cmpi slt, %get3A_65, %lt3A_263 : vector<64x1024xi32>
      %convert_element_type3A_265 = arith.extui %lt3A_264 : vector<64x1024xi1> to vector<64x1024xi32>
      %reduce_sum3A_266 = arith.constant dense<0> : vector<64xi32>
      %reduce_sum3A_267 = vector.multi_reduction <add>, %convert_element_type3A_265, %reduce_sum3A_266 [1] : vector<64x1024xi32> to vector<64xi32>
      %broadcast_in_dim3A_268 = vector.shape_cast %reduce_sum3A_267 : vector<64xi32> to vector<64x1xi32>
      %le3A_269 = arith.constant 512 : i32
      %le3A_270 = vector.broadcast %le3A_269 : i32 to vector<64x1xi32>
      %le3A_271 = arith.cmpi sle, %broadcast_in_dim3A_268, %le3A_270 : vector<64x1xi32>
      %select_n3A_272 = arith.select %le3A_271, %or3A_262, %select_n3A_259 : vector<64x1xi1>, vector<64x1xi32>
      %or3A_273 = arith.constant 8192 : i32
      %or3A_274 = vector.broadcast %or3A_273 : i32 to vector<64x1xi32>
      %or3A_275 = arith.ori %select_n3A_272, %or3A_274 : vector<64x1xi32>
      %lt3A_276 = vector.broadcast %or3A_275 : vector<64x1xi32> to vector<64x1024xi32>
      %lt3A_277 = arith.cmpi slt, %get3A_65, %lt3A_276 : vector<64x1024xi32>
      %convert_element_type3A_278 = arith.extui %lt3A_277 : vector<64x1024xi1> to vector<64x1024xi32>
      %reduce_sum3A_279 = arith.constant dense<0> : vector<64xi32>
      %reduce_sum3A_280 = vector.multi_reduction <add>, %convert_element_type3A_278, %reduce_sum3A_279 [1] : vector<64x1024xi32> to vector<64xi32>
      %broadcast_in_dim3A_281 = vector.shape_cast %reduce_sum3A_280 : vector<64xi32> to vector<64x1xi32>
      %le3A_282 = arith.constant 512 : i32
      %le3A_283 = vector.broadcast %le3A_282 : i32 to vector<64x1xi32>
      %le3A_284 = arith.cmpi sle, %broadcast_in_dim3A_281, %le3A_283 : vector<64x1xi32>
      %select_n3A_285 = arith.select %le3A_284, %or3A_275, %select_n3A_272 : vector<64x1xi1>, vector<64x1xi32>
      %or3A_286 = arith.constant 4096 : i32
      %or3A_287 = vector.broadcast %or3A_286 : i32 to vector<64x1xi32>
      %or3A_288 = arith.ori %select_n3A_285, %or3A_287 : vector<64x1xi32>
      %lt3A_289 = vector.broadcast %or3A_288 : vector<64x1xi32> to vector<64x1024xi32>
      %lt3A_290 = arith.cmpi slt, %get3A_65, %lt3A_289 : vector<64x1024xi32>
      %convert_element_type3A_291 = arith.extui %lt3A_290 : vector<64x1024xi1> to vector<64x1024xi32>
      %reduce_sum3A_292 = arith.constant dense<0> : vector<64xi32>
      %reduce_sum3A_293 = vector.multi_reduction <add>, %convert_element_type3A_291, %reduce_sum3A_292 [1] : vector<64x1024xi32> to vector<64xi32>
      %broadcast_in_dim3A_294 = vector.shape_cast %reduce_sum3A_293 : vector<64xi32> to vector<64x1xi32>
      %le3A_295 = arith.constant 512 : i32
      %le3A_296 = vector.broadcast %le3A_295 : i32 to vector<64x1xi32>
      %le3A_297 = arith.cmpi sle, %broadcast_in_dim3A_294, %le3A_296 : vector<64x1xi32>
      %select_n3A_298 = arith.select %le3A_297, %or3A_288, %select_n3A_285 : vector<64x1xi1>, vector<64x1xi32>
      %or3A_299 = arith.constant 2048 : i32
      %or3A_300 = vector.broadcast %or3A_299 : i32 to vector<64x1xi32>
      %or3A_301 = arith.ori %select_n3A_298, %or3A_300 : vector<64x1xi32>
      %lt3A_302 = vector.broadcast %or3A_301 : vector<64x1xi32> to vector<64x1024xi32>
      %lt3A_303 = arith.cmpi slt, %get3A_65, %lt3A_302 : vector<64x1024xi32>
      %convert_element_type3A_304 = arith.extui %lt3A_303 : vector<64x1024xi1> to vector<64x1024xi32>
      %reduce_sum3A_305 = arith.constant dense<0> : vector<64xi32>
      %reduce_sum3A_306 = vector.multi_reduction <add>, %convert_element_type3A_304, %reduce_sum3A_305 [1] : vector<64x1024xi32> to vector<64xi32>
      %broadcast_in_dim3A_307 = vector.shape_cast %reduce_sum3A_306 : vector<64xi32> to vector<64x1xi32>
      %le3A_308 = arith.constant 512 : i32
      %le3A_309 = vector.broadcast %le3A_308 : i32 to vector<64x1xi32>
      %le3A_310 = arith.cmpi sle, %broadcast_in_dim3A_307, %le3A_309 : vector<64x1xi32>
      %select_n3A_311 = arith.select %le3A_310, %or3A_301, %select_n3A_298 : vector<64x1xi1>, vector<64x1xi32>
      %or3A_312 = arith.constant 1024 : i32
      %or3A_313 = vector.broadcast %or3A_312 : i32 to vector<64x1xi32>
      %or3A_314 = arith.ori %select_n3A_311, %or3A_313 : vector<64x1xi32>
      %lt3A_315 = vector.broadcast %or3A_314 : vector<64x1xi32> to vector<64x1024xi32>
      %lt3A_316 = arith.cmpi slt, %get3A_65, %lt3A_315 : vector<64x1024xi32>
      %convert_element_type3A_317 = arith.extui %lt3A_316 : vector<64x1024xi1> to vector<64x1024xi32>
      %reduce_sum3A_318 = arith.constant dense<0> : vector<64xi32>
      %reduce_sum3A_319 = vector.multi_reduction <add>, %convert_element_type3A_317, %reduce_sum3A_318 [1] : vector<64x1024xi32> to vector<64xi32>
      %broadcast_in_dim3A_320 = vector.shape_cast %reduce_sum3A_319 : vector<64xi32> to vector<64x1xi32>
      %le3A_321 = arith.constant 512 : i32
      %le3A_322 = vector.broadcast %le3A_321 : i32 to vector<64x1xi32>
      %le3A_323 = arith.cmpi sle, %broadcast_in_dim3A_320, %le3A_322 : vector<64x1xi32>
      %select_n3A_324 = arith.select %le3A_323, %or3A_314, %select_n3A_311 : vector<64x1xi1>, vector<64x1xi32>
      %or3A_325 = arith.constant 512 : i32
      %or3A_326 = vector.broadcast %or3A_325 : i32 to vector<64x1xi32>
      %or3A_327 = arith.ori %select_n3A_324, %or3A_326 : vector<64x1xi32>
      %lt3A_328 = vector.broadcast %or3A_327 : vector<64x1xi32> to vector<64x1024xi32>
      %lt3A_329 = arith.cmpi slt, %get3A_65, %lt3A_328 : vector<64x1024xi32>
      %convert_element_type3A_330 = arith.extui %lt3A_329 : vector<64x1024xi1> to vector<64x1024xi32>
      %reduce_sum3A_331 = arith.constant dense<0> : vector<64xi32>
      %reduce_sum3A_332 = vector.multi_reduction <add>, %convert_element_type3A_330, %reduce_sum3A_331 [1] : vector<64x1024xi32> to vector<64xi32>
      %broadcast_in_dim3A_333 = vector.shape_cast %reduce_sum3A_332 : vector<64xi32> to vector<64x1xi32>
      %le3A_334 = arith.constant 512 : i32
      %le3A_335 = vector.broadcast %le3A_334 : i32 to vector<64x1xi32>
      %le3A_336 = arith.cmpi sle, %broadcast_in_dim3A_333, %le3A_335 : vector<64x1xi32>
      %select_n3A_337 = arith.select %le3A_336, %or3A_327, %select_n3A_324 : vector<64x1xi1>, vector<64x1xi32>
      %or3A_338 = arith.constant 256 : i32
      %or3A_339 = vector.broadcast %or3A_338 : i32 to vector<64x1xi32>
      %or3A_340 = arith.ori %select_n3A_337, %or3A_339 : vector<64x1xi32>
      %lt3A_341 = vector.broadcast %or3A_340 : vector<64x1xi32> to vector<64x1024xi32>
      %lt3A_342 = arith.cmpi slt, %get3A_65, %lt3A_341 : vector<64x1024xi32>
      %convert_element_type3A_343 = arith.extui %lt3A_342 : vector<64x1024xi1> to vector<64x1024xi32>
      %reduce_sum3A_344 = arith.constant dense<0> : vector<64xi32>
      %reduce_sum3A_345 = vector.multi_reduction <add>, %convert_element_type3A_343, %reduce_sum3A_344 [1] : vector<64x1024xi32> to vector<64xi32>
      %broadcast_in_dim3A_346 = vector.shape_cast %reduce_sum3A_345 : vector<64xi32> to vector<64x1xi32>
      %le3A_347 = arith.constant 512 : i32
      %le3A_348 = vector.broadcast %le3A_347 : i32 to vector<64x1xi32>
      %le3A_349 = arith.cmpi sle, %broadcast_in_dim3A_346, %le3A_348 : vector<64x1xi32>
      %select_n3A_350 = arith.select %le3A_349, %or3A_340, %select_n3A_337 : vector<64x1xi1>, vector<64x1xi32>
      %or3A_351 = arith.constant 128 : i32
      %or3A_352 = vector.broadcast %or3A_351 : i32 to vector<64x1xi32>
      %or3A_353 = arith.ori %select_n3A_350, %or3A_352 : vector<64x1xi32>
      %lt3A_354 = vector.broadcast %or3A_353 : vector<64x1xi32> to vector<64x1024xi32>
      %lt3A_355 = arith.cmpi slt, %get3A_65, %lt3A_354 : vector<64x1024xi32>
      %convert_element_type3A_356 = arith.extui %lt3A_355 : vector<64x1024xi1> to vector<64x1024xi32>
      %reduce_sum3A_357 = arith.constant dense<0> : vector<64xi32>
      %reduce_sum3A_358 = vector.multi_reduction <add>, %convert_element_type3A_356, %reduce_sum3A_357 [1] : vector<64x1024xi32> to vector<64xi32>
      %broadcast_in_dim3A_359 = vector.shape_cast %reduce_sum3A_358 : vector<64xi32> to vector<64x1xi32>
      %le3A_360 = arith.constant 512 : i32
      %le3A_361 = vector.broadcast %le3A_360 : i32 to vector<64x1xi32>
      %le3A_362 = arith.cmpi sle, %broadcast_in_dim3A_359, %le3A_361 : vector<64x1xi32>
      %select_n3A_363 = arith.select %le3A_362, %or3A_353, %select_n3A_350 : vector<64x1xi1>, vector<64x1xi32>
      %or3A_364 = arith.constant 64 : i32
      %or3A_365 = vector.broadcast %or3A_364 : i32 to vector<64x1xi32>
      %or3A_366 = arith.ori %select_n3A_363, %or3A_365 : vector<64x1xi32>
      %lt3A_367 = vector.broadcast %or3A_366 : vector<64x1xi32> to vector<64x1024xi32>
      %lt3A_368 = arith.cmpi slt, %get3A_65, %lt3A_367 : vector<64x1024xi32>
      %convert_element_type3A_369 = arith.extui %lt3A_368 : vector<64x1024xi1> to vector<64x1024xi32>
      %reduce_sum3A_370 = arith.constant dense<0> : vector<64xi32>
      %reduce_sum3A_371 = vector.multi_reduction <add>, %convert_element_type3A_369, %reduce_sum3A_370 [1] : vector<64x1024xi32> to vector<64xi32>
      %broadcast_in_dim3A_372 = vector.shape_cast %reduce_sum3A_371 : vector<64xi32> to vector<64x1xi32>
      %le3A_373 = arith.constant 512 : i32
      %le3A_374 = vector.broadcast %le3A_373 : i32 to vector<64x1xi32>
      %le3A_375 = arith.cmpi sle, %broadcast_in_dim3A_372, %le3A_374 : vector<64x1xi32>
      %select_n3A_376 = arith.select %le3A_375, %or3A_366, %select_n3A_363 : vector<64x1xi1>, vector<64x1xi32>
      %or3A_377 = arith.constant 32 : i32
      %or3A_378 = vector.broadcast %or3A_377 : i32 to vector<64x1xi32>
      %or3A_379 = arith.ori %select_n3A_376, %or3A_378 : vector<64x1xi32>
      %lt3A_380 = vector.broadcast %or3A_379 : vector<64x1xi32> to vector<64x1024xi32>
      %lt3A_381 = arith.cmpi slt, %get3A_65, %lt3A_380 : vector<64x1024xi32>
      %convert_element_type3A_382 = arith.extui %lt3A_381 : vector<64x1024xi1> to vector<64x1024xi32>
      %reduce_sum3A_383 = arith.constant dense<0> : vector<64xi32>
      %reduce_sum3A_384 = vector.multi_reduction <add>, %convert_element_type3A_382, %reduce_sum3A_383 [1] : vector<64x1024xi32> to vector<64xi32>
      %broadcast_in_dim3A_385 = vector.shape_cast %reduce_sum3A_384 : vector<64xi32> to vector<64x1xi32>
      %le3A_386 = arith.constant 512 : i32
      %le3A_387 = vector.broadcast %le3A_386 : i32 to vector<64x1xi32>
      %le3A_388 = arith.cmpi sle, %broadcast_in_dim3A_385, %le3A_387 : vector<64x1xi32>
      %select_n3A_389 = arith.select %le3A_388, %or3A_379, %select_n3A_376 : vector<64x1xi1>, vector<64x1xi32>
      %or3A_390 = arith.constant 16 : i32
      %or3A_391 = vector.broadcast %or3A_390 : i32 to vector<64x1xi32>
      %or3A_392 = arith.ori %select_n3A_389, %or3A_391 : vector<64x1xi32>
      %lt3A_393 = vector.broadcast %or3A_392 : vector<64x1xi32> to vector<64x1024xi32>
      %lt3A_394 = arith.cmpi slt, %get3A_65, %lt3A_393 : vector<64x1024xi32>
      %convert_element_type3A_395 = arith.extui %lt3A_394 : vector<64x1024xi1> to vector<64x1024xi32>
      %reduce_sum3A_396 = arith.constant dense<0> : vector<64xi32>
      %reduce_sum3A_397 = vector.multi_reduction <add>, %convert_element_type3A_395, %reduce_sum3A_396 [1] : vector<64x1024xi32> to vector<64xi32>
      %broadcast_in_dim3A_398 = vector.shape_cast %reduce_sum3A_397 : vector<64xi32> to vector<64x1xi32>
      %le3A_399 = arith.constant 512 : i32
      %le3A_400 = vector.broadcast %le3A_399 : i32 to vector<64x1xi32>
      %le3A_401 = arith.cmpi sle, %broadcast_in_dim3A_398, %le3A_400 : vector<64x1xi32>
      %select_n3A_402 = arith.select %le3A_401, %or3A_392, %select_n3A_389 : vector<64x1xi1>, vector<64x1xi32>
      %or3A_403 = arith.constant 8 : i32
      %or3A_404 = vector.broadcast %or3A_403 : i32 to vector<64x1xi32>
      %or3A_405 = arith.ori %select_n3A_402, %or3A_404 : vector<64x1xi32>
      %lt3A_406 = vector.broadcast %or3A_405 : vector<64x1xi32> to vector<64x1024xi32>
      %lt3A_407 = arith.cmpi slt, %get3A_65, %lt3A_406 : vector<64x1024xi32>
      %convert_element_type3A_408 = arith.extui %lt3A_407 : vector<64x1024xi1> to vector<64x1024xi32>
      %reduce_sum3A_409 = arith.constant dense<0> : vector<64xi32>
      %reduce_sum3A_410 = vector.multi_reduction <add>, %convert_element_type3A_408, %reduce_sum3A_409 [1] : vector<64x1024xi32> to vector<64xi32>
      %broadcast_in_dim3A_411 = vector.shape_cast %reduce_sum3A_410 : vector<64xi32> to vector<64x1xi32>
      %le3A_412 = arith.constant 512 : i32
      %le3A_413 = vector.broadcast %le3A_412 : i32 to vector<64x1xi32>
      %le3A_414 = arith.cmpi sle, %broadcast_in_dim3A_411, %le3A_413 : vector<64x1xi32>
      %select_n3A_415 = arith.select %le3A_414, %or3A_405, %select_n3A_402 : vector<64x1xi1>, vector<64x1xi32>
      %or3A_416 = arith.constant 4 : i32
      %or3A_417 = vector.broadcast %or3A_416 : i32 to vector<64x1xi32>
      %or3A_418 = arith.ori %select_n3A_415, %or3A_417 : vector<64x1xi32>
      %lt3A_419 = vector.broadcast %or3A_418 : vector<64x1xi32> to vector<64x1024xi32>
      %lt3A_420 = arith.cmpi slt, %get3A_65, %lt3A_419 : vector<64x1024xi32>
      %convert_element_type3A_421 = arith.extui %lt3A_420 : vector<64x1024xi1> to vector<64x1024xi32>
      %reduce_sum3A_422 = arith.constant dense<0> : vector<64xi32>
      %reduce_sum3A_423 = vector.multi_reduction <add>, %convert_element_type3A_421, %reduce_sum3A_422 [1] : vector<64x1024xi32> to vector<64xi32>
      %broadcast_in_dim3A_424 = vector.shape_cast %reduce_sum3A_423 : vector<64xi32> to vector<64x1xi32>
      %le3A_425 = arith.constant 512 : i32
      %le3A_426 = vector.broadcast %le3A_425 : i32 to vector<64x1xi32>
      %le3A_427 = arith.cmpi sle, %broadcast_in_dim3A_424, %le3A_426 : vector<64x1xi32>
      %select_n3A_428 = arith.select %le3A_427, %or3A_418, %select_n3A_415 : vector<64x1xi1>, vector<64x1xi32>
      %or3A_429 = arith.constant 2 : i32
      %or3A_430 = vector.broadcast %or3A_429 : i32 to vector<64x1xi32>
      %or3A_431 = arith.ori %select_n3A_428, %or3A_430 : vector<64x1xi32>
      %lt3A_432 = vector.broadcast %or3A_431 : vector<64x1xi32> to vector<64x1024xi32>
      %lt3A_433 = arith.cmpi slt, %get3A_65, %lt3A_432 : vector<64x1024xi32>
      %convert_element_type3A_434 = arith.extui %lt3A_433 : vector<64x1024xi1> to vector<64x1024xi32>
      %reduce_sum3A_435 = arith.constant dense<0> : vector<64xi32>
      %reduce_sum3A_436 = vector.multi_reduction <add>, %convert_element_type3A_434, %reduce_sum3A_435 [1] : vector<64x1024xi32> to vector<64xi32>
      %broadcast_in_dim3A_437 = vector.shape_cast %reduce_sum3A_436 : vector<64xi32> to vector<64x1xi32>
      %le3A_438 = arith.constant 512 : i32
      %le3A_439 = vector.broadcast %le3A_438 : i32 to vector<64x1xi32>
      %le3A_440 = arith.cmpi sle, %broadcast_in_dim3A_437, %le3A_439 : vector<64x1xi32>
      %select_n3A_441 = arith.select %le3A_440, %or3A_431, %select_n3A_428 : vector<64x1xi1>, vector<64x1xi32>
      %or3A_442 = arith.constant 1 : i32
      %or3A_443 = vector.broadcast %or3A_442 : i32 to vector<64x1xi32>
      %or3A_444 = arith.ori %select_n3A_441, %or3A_443 : vector<64x1xi32>
      %lt3A_445 = vector.broadcast %or3A_444 : vector<64x1xi32> to vector<64x1024xi32>
      %lt3A_446 = arith.cmpi slt, %get3A_65, %lt3A_445 : vector<64x1024xi32>
      %convert_element_type3A_447 = arith.extui %lt3A_446 : vector<64x1024xi1> to vector<64x1024xi32>
      %reduce_sum3A_448 = arith.constant dense<0> : vector<64xi32>
      %reduce_sum3A_449 = vector.multi_reduction <add>, %convert_element_type3A_447, %reduce_sum3A_448 [1] : vector<64x1024xi32> to vector<64xi32>
      %broadcast_in_dim3A_450 = vector.shape_cast %reduce_sum3A_449 : vector<64xi32> to vector<64x1xi32>
      %le3A_451 = arith.constant 512 : i32
      %le3A_452 = vector.broadcast %le3A_451 : i32 to vector<64x1xi32>
      %le3A_453 = arith.cmpi sle, %broadcast_in_dim3A_450, %le3A_452 : vector<64x1xi32>
      %select_n3A_454 = arith.select %le3A_453, %or3A_444, %select_n3A_441 : vector<64x1xi1>, vector<64x1xi32>
      %lt3A_455 = vector.broadcast %select_n3A_454 : vector<64x1xi32> to vector<64x1024xi32>
      %lt3A_456 = arith.cmpi slt, %get3A_65, %lt3A_455 : vector<64x1024xi32>
      %convert_element_type3A_457 = arith.extui %lt3A_456 : vector<64x1024xi1> to vector<64x1024xi32>
      %reduce_sum3A_458 = arith.constant dense<0> : vector<64xi32>
      %reduce_sum3A_459 = vector.multi_reduction <add>, %convert_element_type3A_457, %reduce_sum3A_458 [1] : vector<64x1024xi32> to vector<64xi32>
      %broadcast_in_dim3A_460 = vector.shape_cast %reduce_sum3A_459 : vector<64xi32> to vector<64x1xi32>
      %sub3A_461 = arith.constant 512 : i32
      %sub3A_462 = vector.broadcast %sub3A_461 : i32 to vector<64x1xi32>
      %sub3A_463 = arith.subi %sub3A_462, %broadcast_in_dim3A_460 : vector<64x1xi32>
      %eq3A_464 = vector.broadcast %select_n3A_454 : vector<64x1xi32> to vector<64x1024xi32>
      %eq3A_465 = arith.cmpi eq, %get3A_65, %eq3A_464 : vector<64x1024xi32>
      %iota3A_466 = tpu.iota {dimensions = array<i32: 1>} : vector<64x1024xi32>
      %broadcast_in_dim3A_467 = arith.constant 0 : i32
      %broadcast_in_dim3A_468 = vector.broadcast %broadcast_in_dim3A_467 : i32 to vector<64x1xi32>
      %or3A_469 = arith.constant 1024 : i32
      %or3A_470 = vector.broadcast %or3A_469 : i32 to vector<64x1xi32>
      %or3A_471 = arith.ori %broadcast_in_dim3A_468, %or3A_470 : vector<64x1xi32>
      %lt3A_472 = vector.broadcast %or3A_471 : vector<64x1xi32> to vector<64x1024xi32>
      %lt3A_473 = arith.cmpi slt, %iota3A_466, %lt3A_472 : vector<64x1024xi32>
      %and3A_474 = arith.andi %eq3A_465, %lt3A_473 : vector<64x1024xi1>
      %convert_element_type3A_475 = arith.extui %and3A_474 : vector<64x1024xi1> to vector<64x1024xi32>
      %reduce_sum3A_476 = arith.constant dense<0> : vector<64xi32>
      %reduce_sum3A_477 = vector.multi_reduction <add>, %convert_element_type3A_475, %reduce_sum3A_476 [1] : vector<64x1024xi32> to vector<64xi32>
      %broadcast_in_dim3A_478 = vector.shape_cast %reduce_sum3A_477 : vector<64xi32> to vector<64x1xi32>
      %le3A_479 = arith.cmpi sle, %broadcast_in_dim3A_478, %sub3A_463 : vector<64x1xi32>
      %select_n3A_480 = arith.select %le3A_479, %or3A_471, %broadcast_in_dim3A_468 : vector<64x1xi1>, vector<64x1xi32>
      %or3A_481 = arith.constant 512 : i32
      %or3A_482 = vector.broadcast %or3A_481 : i32 to vector<64x1xi32>
      %or3A_483 = arith.ori %select_n3A_480, %or3A_482 : vector<64x1xi32>
      %lt3A_484 = vector.broadcast %or3A_483 : vector<64x1xi32> to vector<64x1024xi32>
      %lt3A_485 = arith.cmpi slt, %iota3A_466, %lt3A_484 : vector<64x1024xi32>
      %and3A_486 = arith.andi %eq3A_465, %lt3A_485 : vector<64x1024xi1>
      %convert_element_type3A_487 = arith.extui %and3A_486 : vector<64x1024xi1> to vector<64x1024xi32>
      %reduce_sum3A_488 = arith.constant dense<0> : vector<64xi32>
      %reduce_sum3A_489 = vector.multi_reduction <add>, %convert_element_type3A_487, %reduce_sum3A_488 [1] : vector<64x1024xi32> to vector<64xi32>
      %broadcast_in_dim3A_490 = vector.shape_cast %reduce_sum3A_489 : vector<64xi32> to vector<64x1xi32>
      %le3A_491 = arith.cmpi sle, %broadcast_in_dim3A_490, %sub3A_463 : vector<64x1xi32>
      %select_n3A_492 = arith.select %le3A_491, %or3A_483, %select_n3A_480 : vector<64x1xi1>, vector<64x1xi32>
      %or3A_493 = arith.constant 256 : i32
      %or3A_494 = vector.broadcast %or3A_493 : i32 to vector<64x1xi32>
      %or3A_495 = arith.ori %select_n3A_492, %or3A_494 : vector<64x1xi32>
      %lt3A_496 = vector.broadcast %or3A_495 : vector<64x1xi32> to vector<64x1024xi32>
      %lt3A_497 = arith.cmpi slt, %iota3A_466, %lt3A_496 : vector<64x1024xi32>
      %and3A_498 = arith.andi %eq3A_465, %lt3A_497 : vector<64x1024xi1>
      %convert_element_type3A_499 = arith.extui %and3A_498 : vector<64x1024xi1> to vector<64x1024xi32>
      %reduce_sum3A_500 = arith.constant dense<0> : vector<64xi32>
      %reduce_sum3A_501 = vector.multi_reduction <add>, %convert_element_type3A_499, %reduce_sum3A_500 [1] : vector<64x1024xi32> to vector<64xi32>
      %broadcast_in_dim3A_502 = vector.shape_cast %reduce_sum3A_501 : vector<64xi32> to vector<64x1xi32>
      %le3A_503 = arith.cmpi sle, %broadcast_in_dim3A_502, %sub3A_463 : vector<64x1xi32>
      %select_n3A_504 = arith.select %le3A_503, %or3A_495, %select_n3A_492 : vector<64x1xi1>, vector<64x1xi32>
      %or3A_505 = arith.constant 128 : i32
      %or3A_506 = vector.broadcast %or3A_505 : i32 to vector<64x1xi32>
      %or3A_507 = arith.ori %select_n3A_504, %or3A_506 : vector<64x1xi32>
      %lt3A_508 = vector.broadcast %or3A_507 : vector<64x1xi32> to vector<64x1024xi32>
      %lt3A_509 = arith.cmpi slt, %iota3A_466, %lt3A_508 : vector<64x1024xi32>
      %and3A_510 = arith.andi %eq3A_465, %lt3A_509 : vector<64x1024xi1>
      %convert_element_type3A_511 = arith.extui %and3A_510 : vector<64x1024xi1> to vector<64x1024xi32>
      %reduce_sum3A_512 = arith.constant dense<0> : vector<64xi32>
      %reduce_sum3A_513 = vector.multi_reduction <add>, %convert_element_type3A_511, %reduce_sum3A_512 [1] : vector<64x1024xi32> to vector<64xi32>
      %broadcast_in_dim3A_514 = vector.shape_cast %reduce_sum3A_513 : vector<64xi32> to vector<64x1xi32>
      %le3A_515 = arith.cmpi sle, %broadcast_in_dim3A_514, %sub3A_463 : vector<64x1xi32>
      %select_n3A_516 = arith.select %le3A_515, %or3A_507, %select_n3A_504 : vector<64x1xi1>, vector<64x1xi32>
      %or3A_517 = arith.constant 64 : i32
      %or3A_518 = vector.broadcast %or3A_517 : i32 to vector<64x1xi32>
      %or3A_519 = arith.ori %select_n3A_516, %or3A_518 : vector<64x1xi32>
      %lt3A_520 = vector.broadcast %or3A_519 : vector<64x1xi32> to vector<64x1024xi32>
      %lt3A_521 = arith.cmpi slt, %iota3A_466, %lt3A_520 : vector<64x1024xi32>
      %and3A_522 = arith.andi %eq3A_465, %lt3A_521 : vector<64x1024xi1>
      %convert_element_type3A_523 = arith.extui %and3A_522 : vector<64x1024xi1> to vector<64x1024xi32>
      %reduce_sum3A_524 = arith.constant dense<0> : vector<64xi32>
      %reduce_sum3A_525 = vector.multi_reduction <add>, %convert_element_type3A_523, %reduce_sum3A_524 [1] : vector<64x1024xi32> to vector<64xi32>
      %broadcast_in_dim3A_526 = vector.shape_cast %reduce_sum3A_525 : vector<64xi32> to vector<64x1xi32>
      %le3A_527 = arith.cmpi sle, %broadcast_in_dim3A_526, %sub3A_463 : vector<64x1xi32>
      %select_n3A_528 = arith.select %le3A_527, %or3A_519, %select_n3A_516 : vector<64x1xi1>, vector<64x1xi32>
      %or3A_529 = arith.constant 32 : i32
      %or3A_530 = vector.broadcast %or3A_529 : i32 to vector<64x1xi32>
      %or3A_531 = arith.ori %select_n3A_528, %or3A_530 : vector<64x1xi32>
      %lt3A_532 = vector.broadcast %or3A_531 : vector<64x1xi32> to vector<64x1024xi32>
      %lt3A_533 = arith.cmpi slt, %iota3A_466, %lt3A_532 : vector<64x1024xi32>
      %and3A_534 = arith.andi %eq3A_465, %lt3A_533 : vector<64x1024xi1>
      %convert_element_type3A_535 = arith.extui %and3A_534 : vector<64x1024xi1> to vector<64x1024xi32>
      %reduce_sum3A_536 = arith.constant dense<0> : vector<64xi32>
      %reduce_sum3A_537 = vector.multi_reduction <add>, %convert_element_type3A_535, %reduce_sum3A_536 [1] : vector<64x1024xi32> to vector<64xi32>
      %broadcast_in_dim3A_538 = vector.shape_cast %reduce_sum3A_537 : vector<64xi32> to vector<64x1xi32>
      %le3A_539 = arith.cmpi sle, %broadcast_in_dim3A_538, %sub3A_463 : vector<64x1xi32>
      %select_n3A_540 = arith.select %le3A_539, %or3A_531, %select_n3A_528 : vector<64x1xi1>, vector<64x1xi32>
      %or3A_541 = arith.constant 16 : i32
      %or3A_542 = vector.broadcast %or3A_541 : i32 to vector<64x1xi32>
      %or3A_543 = arith.ori %select_n3A_540, %or3A_542 : vector<64x1xi32>
      %lt3A_544 = vector.broadcast %or3A_543 : vector<64x1xi32> to vector<64x1024xi32>
      %lt3A_545 = arith.cmpi slt, %iota3A_466, %lt3A_544 : vector<64x1024xi32>
      %and3A_546 = arith.andi %eq3A_465, %lt3A_545 : vector<64x1024xi1>
      %convert_element_type3A_547 = arith.extui %and3A_546 : vector<64x1024xi1> to vector<64x1024xi32>
      %reduce_sum3A_548 = arith.constant dense<0> : vector<64xi32>
      %reduce_sum3A_549 = vector.multi_reduction <add>, %convert_element_type3A_547, %reduce_sum3A_548 [1] : vector<64x1024xi32> to vector<64xi32>
      %broadcast_in_dim3A_550 = vector.shape_cast %reduce_sum3A_549 : vector<64xi32> to vector<64x1xi32>
      %le3A_551 = arith.cmpi sle, %broadcast_in_dim3A_550, %sub3A_463 : vector<64x1xi32>
      %select_n3A_552 = arith.select %le3A_551, %or3A_543, %select_n3A_540 : vector<64x1xi1>, vector<64x1xi32>
      %or3A_553 = arith.constant 8 : i32
      %or3A_554 = vector.broadcast %or3A_553 : i32 to vector<64x1xi32>
      %or3A_555 = arith.ori %select_n3A_552, %or3A_554 : vector<64x1xi32>
      %lt3A_556 = vector.broadcast %or3A_555 : vector<64x1xi32> to vector<64x1024xi32>
      %lt3A_557 = arith.cmpi slt, %iota3A_466, %lt3A_556 : vector<64x1024xi32>
      %and3A_558 = arith.andi %eq3A_465, %lt3A_557 : vector<64x1024xi1>
      %convert_element_type3A_559 = arith.extui %and3A_558 : vector<64x1024xi1> to vector<64x1024xi32>
      %reduce_sum3A_560 = arith.constant dense<0> : vector<64xi32>
      %reduce_sum3A_561 = vector.multi_reduction <add>, %convert_element_type3A_559, %reduce_sum3A_560 [1] : vector<64x1024xi32> to vector<64xi32>
      %broadcast_in_dim3A_562 = vector.shape_cast %reduce_sum3A_561 : vector<64xi32> to vector<64x1xi32>
      %le3A_563 = arith.cmpi sle, %broadcast_in_dim3A_562, %sub3A_463 : vector<64x1xi32>
      %select_n3A_564 = arith.select %le3A_563, %or3A_555, %select_n3A_552 : vector<64x1xi1>, vector<64x1xi32>
      %or3A_565 = arith.constant 4 : i32
      %or3A_566 = vector.broadcast %or3A_565 : i32 to vector<64x1xi32>
      %or3A_567 = arith.ori %select_n3A_564, %or3A_566 : vector<64x1xi32>
      %lt3A_568 = vector.broadcast %or3A_567 : vector<64x1xi32> to vector<64x1024xi32>
      %lt3A_569 = arith.cmpi slt, %iota3A_466, %lt3A_568 : vector<64x1024xi32>
      %and3A_570 = arith.andi %eq3A_465, %lt3A_569 : vector<64x1024xi1>
      %convert_element_type3A_571 = arith.extui %and3A_570 : vector<64x1024xi1> to vector<64x1024xi32>
      %reduce_sum3A_572 = arith.constant dense<0> : vector<64xi32>
      %reduce_sum3A_573 = vector.multi_reduction <add>, %convert_element_type3A_571, %reduce_sum3A_572 [1] : vector<64x1024xi32> to vector<64xi32>
      %broadcast_in_dim3A_574 = vector.shape_cast %reduce_sum3A_573 : vector<64xi32> to vector<64x1xi32>
      %le3A_575 = arith.cmpi sle, %broadcast_in_dim3A_574, %sub3A_463 : vector<64x1xi32>
      %select_n3A_576 = arith.select %le3A_575, %or3A_567, %select_n3A_564 : vector<64x1xi1>, vector<64x1xi32>
      %or3A_577 = arith.constant 2 : i32
      %or3A_578 = vector.broadcast %or3A_577 : i32 to vector<64x1xi32>
      %or3A_579 = arith.ori %select_n3A_576, %or3A_578 : vector<64x1xi32>
      %lt3A_580 = vector.broadcast %or3A_579 : vector<64x1xi32> to vector<64x1024xi32>
      %lt3A_581 = arith.cmpi slt, %iota3A_466, %lt3A_580 : vector<64x1024xi32>
      %and3A_582 = arith.andi %eq3A_465, %lt3A_581 : vector<64x1024xi1>
      %convert_element_type3A_583 = arith.extui %and3A_582 : vector<64x1024xi1> to vector<64x1024xi32>
      %reduce_sum3A_584 = arith.constant dense<0> : vector<64xi32>
      %reduce_sum3A_585 = vector.multi_reduction <add>, %convert_element_type3A_583, %reduce_sum3A_584 [1] : vector<64x1024xi32> to vector<64xi32>
      %broadcast_in_dim3A_586 = vector.shape_cast %reduce_sum3A_585 : vector<64xi32> to vector<64x1xi32>
      %le3A_587 = arith.cmpi sle, %broadcast_in_dim3A_586, %sub3A_463 : vector<64x1xi32>
      %select_n3A_588 = arith.select %le3A_587, %or3A_579, %select_n3A_576 : vector<64x1xi1>, vector<64x1xi32>
      %or3A_589 = arith.constant 1 : i32
      %or3A_590 = vector.broadcast %or3A_589 : i32 to vector<64x1xi32>
      %or3A_591 = arith.ori %select_n3A_588, %or3A_590 : vector<64x1xi32>
      %lt3A_592 = vector.broadcast %or3A_591 : vector<64x1xi32> to vector<64x1024xi32>
      %lt3A_593 = arith.cmpi slt, %iota3A_466, %lt3A_592 : vector<64x1024xi32>
      %and3A_594 = arith.andi %eq3A_465, %lt3A_593 : vector<64x1024xi1>
      %convert_element_type3A_595 = arith.extui %and3A_594 : vector<64x1024xi1> to vector<64x1024xi32>
      %reduce_sum3A_596 = arith.constant dense<0> : vector<64xi32>
      %reduce_sum3A_597 = vector.multi_reduction <add>, %convert_element_type3A_595, %reduce_sum3A_596 [1] : vector<64x1024xi32> to vector<64xi32>
      %broadcast_in_dim3A_598 = vector.shape_cast %reduce_sum3A_597 : vector<64xi32> to vector<64x1xi32>
      %le3A_599 = arith.cmpi sle, %broadcast_in_dim3A_598, %sub3A_463 : vector<64x1xi32>
      %select_n3A_600 = arith.select %le3A_599, %or3A_591, %select_n3A_588 : vector<64x1xi1>, vector<64x1xi32>
      %swap3A_601 = arith.constant 0 : index
      %swap3A_602 = arith.constant 0 : index
      %swap3A_603 = vector.load %arg6[%swap3A_601, %swap3A_602] : memref<64x1xi32, #tpu.memory_space<vmem>>, vector<64x1xi32>
      tpu.vector_store %arg6[%swap3A_601, %swap3A_602], %select_n3A_454 {strides = array<i32>} : memref<64x1xi32, #tpu.memory_space<vmem>>, vector<64x1xi32>,
      %swap3A_604 = arith.constant 0 : index
      %swap3A_605 = arith.constant 0 : index
      %swap3A_606 = vector.load %arg7[%swap3A_604, %swap3A_605] : memref<64x1xi32, #tpu.memory_space<vmem>>, vector<64x1xi32>
      tpu.vector_store %arg7[%swap3A_604, %swap3A_605], %select_n3A_600 {strides = array<i32>} : memref<64x1xi32, #tpu.memory_space<vmem>>, vector<64x1xi32>,
    } else {
    }
    %get3A = arith.constant 0 : index
    %get3A_2 = arith.constant 0 : index
    %get3A_3 = vector.load %arg6[%get3A, %get3A_2] : memref<64x1xi32, #tpu.memory_space<vmem>>, vector<64x1xi32>
    %get3A_4 = arith.constant 0 : index
    %get3A_5 = arith.constant 0 : index
    %get3A_6 = vector.load %arg7[%get3A_4, %get3A_5] : memref<64x1xi32, #tpu.memory_space<vmem>>, vector<64x1xi32>
    %mul3A = arith.constant 128 : i32
    %mul3A_7 = arith.muli %arg1, %mul3A : i32
    %get3A_8 = arith.constant 0 : index
    %get3A_9 = arith.index_cast %mul3A_7 : i32 to index
    %get3A_10 = vector.load %arg2[%get3A_8, %get3A_9] : memref<64x1024xi32, #tpu.memory_space<vmem>>, vector<64x128xi32>
    %mul3A_11 = arith.constant 128 : i32
    %mul3A_12 = arith.muli %arg1, %mul3A_11 : i32
    %iota3A = tpu.iota {dimensions = array<i32: 1>} : vector<64x128xi32>
    %add3A = vector.broadcast %mul3A_12 : i32 to vector<64x128xi32>
    %add3A_13 = arith.addi %add3A, %iota3A : vector<64x128xi32>
    %gt3A = vector.broadcast %get3A_3 : vector<64x1xi32> to vector<64x128xi32>
    %gt3A_14 = arith.cmpi sgt, %get3A_10, %gt3A : vector<64x128xi32>
    %eq3A_15 = vector.broadcast %get3A_3 : vector<64x1xi32> to vector<64x128xi32>
    %eq3A_16 = arith.cmpi eq, %get3A_10, %eq3A_15 : vector<64x128xi32>
    %ge3A = vector.broadcast %get3A_6 : vector<64x1xi32> to vector<64x128xi32>
    %ge3A_17 = arith.cmpi sge, %add3A_13, %ge3A : vector<64x128xi32>
    %and3A = arith.andi %eq3A_16, %ge3A_17 : vector<64x128xi1>
    %or3A = arith.ori %gt3A_14, %and3A : vector<64x128xi1>
    %convert_element_type3A_18 = arith.extui %or3A : vector<64x128xi1> to vector<64x128xi32>
    %convert_element_type3A_19 = arith.sitofp %convert_element_type3A_18 : vector<64x128xi32> to vector<64x128xf32>
    %swap3A = arith.constant 0 : index
    %swap3A_20 = arith.constant 0 : index
    %swap3A_21 = vector.load %arg5[%swap3A, %swap3A_20] : memref<64x128xf32, #tpu.memory_space<vmem>>, vector<64x128xf32>
    tpu.vector_store %arg5[%swap3A, %swap3A_20], %convert_element_type3A_19 {strides = array<i32>} : memref<64x128xf32, #tpu.memory_space<vmem>>, vector<64x128xf32>,
    %iota3A_22 = tpu.iota {dimensions = array<i32: 1>} : vector<128x2048xi32>
    %iota3A_23 = tpu.iota {dimensions = array<i32: 0>} : vector<128x2048xi32>
    %jit3A = arith.constant 16 : i32
    %div3A = vector.broadcast %jit3A : i32 to vector<128x2048xi32>
    %div3A_24 = arith.divsi %iota3A_22, %div3A : vector<128x2048xi32>
    %sign3A = arith.constant 0 : i32
    %sign3A_25 = vector.broadcast %sign3A : i32 to vector<128x2048xi32>
    %sign3A_26 = arith.cmpi sgt, %iota3A_22, %sign3A_25 : vector<128x2048xi32>
    %sign3A_27 = arith.extui %sign3A_26 : vector<128x2048xi1> to vector<128x2048xi32>
    %sign3A_28 = arith.constant 0 : i32
    %sign3A_29 = vector.broadcast %sign3A_28 : i32 to vector<128x2048xi32>
    %sign3A_30 = arith.cmpi slt, %iota3A_22, %sign3A_29 : vector<128x2048xi32>
    %sign3A_31 = arith.extui %sign3A_30 : vector<128x2048xi1> to vector<128x2048xi32>
    %sign3A_32 = arith.subi %sign3A_27, %sign3A_31 : vector<128x2048xi32>
    %sign3A_33 = arith.constant 0 : i32
    %sign3A_34 = arith.cmpi sgt, %jit3A, %sign3A_33 : i32
    %sign3A_35 = arith.extui %sign3A_34 : i1 to i32
    %sign3A_36 = arith.constant 0 : i32
    %sign3A_37 = arith.cmpi slt, %jit3A, %sign3A_36 : i32
    %sign3A_38 = arith.extui %sign3A_37 : i1 to i32
    %sign3A_39 = arith.subi %sign3A_35, %sign3A_38 : i32
    %ne3A = vector.broadcast %sign3A_39 : i32 to vector<128x2048xi32>
    %ne3A_40 = arith.cmpi ne, %sign3A_32, %ne3A : vector<128x2048xi32>
    %rem3A = vector.broadcast %jit3A : i32 to vector<128x2048xi32>
    %rem3A_41 = arith.remsi %iota3A_22, %rem3A : vector<128x2048xi32>
    %ne3A_42 = arith.constant 0 : i32
    %ne3A_43 = vector.broadcast %ne3A_42 : i32 to vector<128x2048xi32>
    %ne3A_44 = arith.cmpi ne, %rem3A_41, %ne3A_43 : vector<128x2048xi32>
    %and3A_45 = arith.andi %ne3A_40, %ne3A_44 : vector<128x2048xi1>
    %sub3A = arith.constant 1 : i32
    %sub3A_46 = vector.broadcast %sub3A : i32 to vector<128x2048xi32>
    %sub3A_47 = arith.subi %div3A_24, %sub3A_46 : vector<128x2048xi32>
    %select_n3A = arith.select %and3A_45, %sub3A_47, %div3A_24 : vector<128x2048xi1>, vector<128x2048xi32>
    %eq3A_48 = arith.cmpi eq, %select_n3A, %iota3A_23 : vector<128x2048xi32>
    %convert_element_type3A_49 = arith.extui %eq3A_48 : vector<128x2048xi1> to vector<128x2048xi32>
    %convert_element_type3A_50 = arith.sitofp %convert_element_type3A_49 : vector<128x2048xi32> to vector<128x2048xf32>
    %dot_general3A = arith.constant dense<0.000000e+00> : vector<64x2048xf32>
    %dot_general3A_51 = tpu.matmul %convert_element_type3A_19, %convert_element_type3A_50, %dot_general3A {dimension_numbers = #tpu.dot_dimension_numbers<[1], [0], [0], [1], [0, 0, 1, 1], [], []>, transpose_lhs_hint = false} : vector<64x128xf32>, vector<128x2048xf32>, vector<64x2048xf32> -> vector<64x2048xf32>
    %eq3A_52 = arith.constant 0.000000e+00 : f32
    %eq3A_53 = vector.broadcast %eq3A_52 : f32 to vector<64x2048xf32>
    %eq3A_54 = arith.cmpf oeq, %dot_general3A_51, %eq3A_53 : vector<64x2048xf32>
    %get3A_55 = arith.constant 0 : index
    %get3A_56 = arith.constant 0 : index
    %get3A_57 = vector.load %arg3[%get3A_55, %get3A_56] : memref<64x2048xf32, #tpu.memory_space<vmem>>, vector<64x2048xf32>
    %jit3A_58 = arith.constant 0.000000e+00 : f32
    %broadcast_in_dim3A = vector.broadcast %jit3A_58 : f32 to vector<64x2048xf32>
    %select_n3A_59 = arith.select %eq3A_54, %get3A_57, %broadcast_in_dim3A : vector<64x2048xi1>, vector<64x2048xf32>
    %swap3A_60 = arith.constant 0 : index
    %swap3A_61 = arith.constant 0 : index
    %swap3A_62 = vector.load %arg4[%swap3A_60, %swap3A_61] : memref<64x2048xf32, #tpu.memory_space<vmem>>, vector<64x2048xf32>
    tpu.vector_store %arg4[%swap3A_60, %swap3A_61], %select_n3A_59 {strides = array<i32>} : memref<64x2048xf32, #tpu.memory_space<vmem>>, vector<64x2048xf32>,
    return
  }
  func.func @transform_0(%arg0: i32, %arg1: i32) -> (i32, i32) {
    %c0_i32 = arith.constant 0 : i32
    %c0_i32_0 = arith.constant 0 : i32
    return %arg0, %c0_i32 : i32, i32
  }
  func.func @transform_1(%arg0: i32, %arg1: i32) -> (i32, i32) {
    %c0_i32 = arith.constant 0 : i32
    return %arg0, %arg1 : i32, i32
  }
  func.func @transform_2(%arg0: i32, %arg1: i32) -> (i32, i32) {
    %c0_i32 = arith.constant 0 : i32
    return %arg0, %arg1 : i32, i32
  }
  func.func @transform_3(%arg0: i32, %arg1: i32) -> (i32, i32) {
    %c0_i32 = arith.constant 0 : i32
    return %arg0, %arg1 : i32, i32
  }
}

</mosaic_0001>

<sc_bundles>
// kernel: sparse-core-data-format-call.cloned.1.call-start
scs
called_computation_lowered:
.L_overlay_start_0:
0x0: {  	s2 =	sld [smem:$0x3FD9]  }
0x1: {  	s3 =	sld [smem:$0x3FFE];
	_ =	sdelay $0x1  }
0x2: {  	s1 =	srdreg.scid  }
0x3: {  	s0 =	sand.u32 $0x1, s1  }
0x4: {  	s15 =	sshll.u32 s0, $0xA;
	s2 =	sadd.s32 s3, s2  }
0x5: {  	s2 =	sadd.s32 s2, s15  }
0x6: {  	[smem:$0x3FC7] =	sst s2  }
0x7: {  	_ = 	snop  }
0x8: {  	s2 =	sld [smem:$0x3FD0];
	_ =	sdelay $0x2  }
0x9: {  	s16 =	simm.s32 $0xA;
	s4 =	simm.s32 $0x10  }
0xa: {  	[smem:s4], [sflag:s16] =	dma.local [hbm:s2], $0x1  }
0xb: {  	_ =	swait.eq [sflag:s16], $0x1  }
0xc: {  	[sflag:s16] =	ssyncset.done $0x0  }
0xd: {  	[sflag:s16] =	ssyncadd.s32 $0xFFFFFFFF  }
0xe: {  	s17 =	sld [smem:$0x10];
	(tm) =	ssettm $0x1  }
0xf: {  	s18 =	sld [smem:$0x3FFB];
	_ =	sdelay $0x3  }
0x10: {  	_ =	strace s18  }
0x11: {  	s3 =	sld [smem:$0x3FFC];
	_ =	sdelay $0x3  }
0x12: {  	_ =	strace s3  }
0x13: {  	s3 =	sld [smem:$0x3FFD];
	_ =	sdelay $0x3  }
0x14: {  	_ =	strace s3  }
0x15: {  	_ =	strace $0x8FFFFFFF  }
0x16: {  	s19 =	sld [smem:$0x3FDB];
	_ =	sdelay $0x1  }
0x17: {  	s20 =	simm.s32 $_scs_section_size  }
0x18: {  	s5 =	simm.s32 $_size__tile_overlayer_lowered;
	s6 =	simm.s32 $_tile_overlayer_lowered  }
0x19: {  	s23 =	simm.s32 $0x1BFF;
	s22 =	sshll.u32 s6, $0x1;
	s3 =	sadd.s32 s20, s19  }
0x1a: {  	s7 =	simm.s32 $0x0;
	s21 =	sshll.u32 s5, $0x1;
	s5 =	sadd.s32 s22, s3  }
0x1b: {  	[timem:s7], [sflag:s23] =	dma.local [hbm:s5], s21  }
0x1c: {  	_ =	swait.ge [sflag:s23], s21  }
0x1d: {  	s4 =	ssub.s32 $0x0, s21;
	[sflag:s23] =	ssyncset.done $0x0  }
0x1e: {  	[sflag:s23] =	ssyncadd.s32 s4;
	_ =	sdelay $0x1  }
0x1f: {  	s24 =	simm.s32 $0x1B8B  }
0x20: {  	_ =	swait.ge [sflag:s24], $0x1  }
0x21: {  	[sflag:s24] =	ssyncset.done $0x0  }
0x22: {  	s26 =	simm.s32 $0x1B8E;
	s25 =	sld [smem:$0x3FFE];
	[sflag:s24] =	ssyncadd.s32 $0xFFFFFFFF  }
0x23: {  	s27 =	simm.s32 $execute0_lowered;
	[smem:$0x3FD2] =	sst s26  }
0x24: {  	s5 =	sshll.u32 s27, $0x1;
	_ =	strace $0x80000046;
	[dreg:$0x1] =	wrdreg $0xFFFFFFFF  }
0x25: {  	s28 =	simm.s32 $_size_execute0_lowered;
	s3 =	sadd.s32 s3, s5;
	[dreg:$0x0] =	wrdreg $0x0  }
0x26: {  	s5 =	sshll.u32 s28, $0x1;
	[dreg:$0x2] =	wrdreg s3  }
0x27: {  	[dreg:$0x3] =	wrdreg s5  }
0x28: {  	[dreg:$0x4] =	wrdreg $0xC0  }
0x29: {  	_ =	task [dreg:s7], $0x5FFFF  }
0x2a: {  	[dreg:$0x1] =	wrdreg $0xFFFFFFFF  }
0x2b: {  	[dreg:$0x0] =	wrdreg $0x60  }
0x2c: {  	[dreg:$0x2] =	wrdreg s25  }
0x2d: {  	[dreg:$0x3] =	wrdreg s17  }
0x2e: {  	[dreg:$0x4] =	wrdreg $0x9  }
0x2f: {  	_ =	task.clear_ibuf [dreg:s7], $0x5FFFF;
	_ =	strace $0x90000046  }
0x30: {  	s29 =	simm.s32 $0x9;
	_ =	strace $0x80000048  }
0x31: {  	_ =	swait.ge [sflag:s29], $0x1  }
0x32: {  	[sflag:s29] =	ssyncadd.s32 $0xFFFFFFFF  }
0x33: {  	_ =	strace $0x90000048  }
0x34: {  	_ =	sfence  }
0x35: {  	s30 =	sld [smem:$0x0];
	_ =	sdelay $0x2  }
0x36: {  	s31 =	sshll.u32 s1, $0xD;
	s1 =	sshrl.u32 s1, $0x2  }
0x37: {  	s3 =	sand.u32 $0x4000, s31;
	s1 =	sadd.s32 s1, s30  }
0x38: {  	s0 =	sor.u32 s3, s0;
	s1 =	sshll.u32 s1, $0x11  }
0x39: {  	s0 =	sor.u32 s1, s0  }
0x3a: {  	s0 =	sadd.s32 $0x8F2B, s0  }
0x3b: {  	[sflag:s0] =	ssyncadd.remote.s32 $0x1  }
0x3c: {  	_ =	sfence.sel $0xFFFF  }
0x3d: {  	[dreg:$0x0] =	wrdreg $0xFFFFFFFF;
	(pc) =	sbr.abs _section_cstart, $3  }
0x3e: {  	[dreg:$0x1] =	wrdreg $0xFFFFFFFF  }
0x3f: {  	_ =	task.clear_ibuf [dreg:s7], $0x2FFFF;
	_ =	strace $0x9FFFFFFF  }
0x40: {  	(tm) =	ssettm $0x7FFFFFFF  }
0x41: {  	_ =	shalt  }
tec
execute0_lowered:
.L_overlay_start_1:
0x0: {  	(tag) =	ssettag $0x1  }
0x1: {  	s4 =	rddreg [dreg:$0x0]  }
0x2: {  	s2 =	rddreg [dreg:$0x1]  }
0x3: {  	s0 =	stileid.u32;
	s1 =	rddreg [dreg:$0x2];
	_ =	strace $0x80000047  }
0x4: {  	s6 =	srdreg.scid;
	s31 =	simm.s32 $0x2;
	s15 =	simm.s32 $0x0  }
0x5: {  	s17 =	simm.s32 $0x0;
	s18 =	simm.s32 $0x0;
	s16 =	simm.s32 $0x0  }
0x6: {  	s10 =	simm.s32 $0x0;
	s12 =	simm.s32 $0x0;
	s3 =	sshll.u32 s0, $0x7  }
0x7: {  	s14 =	simm.s32 $0x0;
	s6 =	sshll.u32 s6, $0x4;
	s3 =	sand.u32 $0x380, s3  }
0x8: {  	s4 =	sadd.s32 $0x401200, s4;
	s6 =	sand.u32 $0x10, s6;
	s5 =	ssub.s32 $0x400, s3  }
0x9: {  	s7 =	sand.u32 $0x380, s5;
	s8 =	sshrl.u32 s5, $0xA;
	s5 =	simm.s32 $0x1  }
.Ltmp0:
0xa: {  	p0 =	sne.s32 s7, $0x0;
	s7 =	simm.s32 $0x1;
	(pc) =	sbr.rel .LBB1_1-.Ltmp0, $4  }
0xb: {  	s9 =	sor.u32 s0, s6;
	[sflag:s5] =	ssyncpa.u1 $0x0;
	s7 =	simm.s32 @!p0 $0x0  }
0xc: {  	s13 =	smov.u32 s3;
	[sflag:s31] =	ssyncpa.u1 $0x0;
	s30 =	sadd.s32 s7, s8  }
0xd: {  	p0 =	por $0x0, $0x0;
	s7 =	sshrl.u32 s9, $0x3;
	s6 =	sshll.u32 s30, $0x6  }
0xe: {  	s9 =	simm.s32 $0x2000;
	s11 =	smov.u32 s7;
	s8 =	sor.u32 $0x1, s6  }
.LBB1_7:
0xf: {  	s19 =	sadd.s32 $0x8, s10  }
0x10: {  	s15 =	sadd.s32 $0x4, s11;
	s20 =	smov.u32 s11;
	p2 =	sgt.s32 s19, $0x1F  }
0x11: {  	s20 =	smov.u32 @p2 s15  }
0x12: {  	s21 =	smov.u32 s12;
	s15 =	sadd.s32 $0x10, s12;
	p3 =	sgt.s32 s20, $0x3F  }
0x13: {  	s21 =	smov.u32 @p3 s15  }
0x14: {  	s22 =	smov.u32 s13;
	s15 =	sadd.s32 $0x400, s13;
	p4 =	sgt.s32 s21, $0xF  }
0x15: {  	p1 =	slt.u32 s14, $0x2;
	s22 =	smov.u32 @p4 s15  }
0x16: {  	s17 =	smov.u32 s11;
	s19 =	simm.s32 @p2 $0x0;
	p2 =	sgt.s32 s22, $0x3FF  }
0x17: {  	s23 =	simm.s32 @!p1 $0x2;
	s22 =	smov.u32 @p2 s3;
	p2 =	sne.s32 s14, s8  }
.Ltmp1:
0x18: {  	s18 =	smov.u32 s12;
	_ =	swait.ge @!p1 [sflag:s23], $0x4000;
	(pc) =	sbr.rel @!p2 .LBB1_8-.Ltmp1, $4  }
0x19: {  	s16 =	smov.u32 s13;
	[sflag:s23] =	ssyncset.done @!p1 $0x0;
	s20 =	smov.u32 @p3 s7  }
0x1a: {  	p0 =	por !p0, !p0;
	[sflag:s23] =	ssyncadd.s32 @!p1 $0xFFFFC000;
	s11 =	smov.u32 s20  }
0x1b: {  	s21 =	simm.s32 @p4 $0x0;
	s15 =	smov.u32 s10;
	s10 =	smov.u32 s19  }
0x1c: {  	s12 =	smov.u32 s21;
	s14 =	sadd.s32 $0x1, s14;
	s13 =	smov.u32 s22  }
.LBB1_1:
0x1d: {  	p1 =	sge.u32 s14, s6;
	s31 =	sadd.s32 $0xFFFFFFFF, s14  }
0x1e: {  	s19 =	sshll.u32 @!p1 s11, $0x7;
	s20 =	sshll.u32 @!p1 s10, $0x3;
	s22 =	sxor.u32 @!p1 $0xFFFFFFFF, s14  }
0x1f: {  	s23 =	sshrl.u32 @!p1 s10, $0x3;
	s21 =	sand.u32 @!p1 $0x1C00, s19;
	s20 =	sand.u32 @!p1 $0x1C00, s20  }
0x20: {  	s19 =	sand.u32 @!p1 $0x380, s19;
	s20 =	sadd.s32 @!p1 s21, s20;
	s21 =	sshll.u32 @!p1 s22, $0xE  }
0x21: {  	s19 =	sor.u32 @!p1 s19, s20;
	s20 =	sand.u32 @!p1 $0x4000, s21;
	s21 =	sshll.u32 @!p1 s13, $0xE  }
0x22: {  	s23 =	sand.u32 @!p1 $0xF, s23;
	s22 =	sshll.u32 @!p1 s12, $0xA;
	s21 =	sadd.s32 @!p1 s4, s21  }
0x23: {  	s19 =	sshrl.u32 @!p1 s19, $0x3;
	s21 =	sadd.s32 @!p1 s22, s21;
	s22 =	sand.u32 @!p1 $0x7, s10  }
0x24: {  	s19 =	sand.u32 @!p1 $0x3F0, s19;
	s21 =	sadd.s32 @!p1 s23, s21;
	s22 =	sshll.u32 @!p1 s22, $0x12  }
0x25: {  	s19 =	sadd.s32 @!p1 s19, s21;
	s21 =	sor.u32 @!p1 $0x8, s22;
	s22 =	simm.s32 @!p1 $0x2000  }
0x26: {  	[tilespmem:s20], [sflag:$0x1] =	stream.strided.gather @!p1 [hbm4b:s19+s21], $0x4000, s22, s21, $0x38;
	[tilespmem:$0x10100] =	vst v63  }
0x27: {  	p1 =	sge.u32 s31, s6  }
.Ltmp2:
0x28: {  	_ = 	snop;
	(pc) =	sbr.rel @p1 .LBB1_7-.Ltmp2, $1  }
0x29: {  	_ =	sdelay $0x3  }
0x2a: {  	s19 =	simm.s32 $0x1;
	s20 =	sand.u32 $0x1, s14  }
0x2b: {  	s19 =	simm.s32 @!p0 $0x0;
	s22 =	smul.u32 $0x10200, s20  }
0x2c: {  	_ =	swait.ge [sflag:s5], $0x4000;
	s21 =	smul.u32 $0x10200, s19  }
0x2d: {  	[sflag:s5] =	ssyncset.done $0x0;
	s20 =	sshll.u32 s19, $0xE  }
0x2e: {  	[sflag:s5] =	ssyncadd.s32 $0xFFFFC000;
	s31 =	sshrl.u32 s22, $0x2;
	s30 =	sshrl.u32 s21, $0x2  }
0x2f: {  	s22 =	simm.s32 $0x0;
	s19 =	sor.u32 $0x8000, s31;
	s21 =	sor.u32 $0x8000, s30  }
.LBB1_3:
0x30: {  	v0 =	vmov s20;
	_ =	sdelay $0x3  }
0x31: {  	s23 =	simm.s32 $0x0  }
0x32: {  	v1 =	vld.idx.msk [tilespmem:v0+s23+$0x0 ss:$0x1], $0xff;
	_ =	sdelay $0x2  }
0x33: {  	s24 =	simm.s32 $0x20;
	s23 =	smov.u32 s21  }
.LBB1_4:
0x34: {  	s25 =	sshra.s32 s24, $0x2;
	p1 =	sne.s32 s24, $0x1E0;
	s24 =	sadd.s32 $0x20, s24  }
.Ltmp3:
0x35: {  	[tilespmem:s23+$0x0 ss:$0x810] =	vst.msk $0xff, v1;
	v1 =	vld.idx.msk [tilespmem:v0+s25+$0x0 ss:$0x1], $0xff;
	(pc) =	sbr.rel @p1 .LBB1_4-.Ltmp3, $2  }
0x36: {  	_ =	sdelay $0x2  }
0x37: {  	s23 =	sadd.s32 $0x81, s23  }
0x38: {  	s22 =	sadd.s32 $0x1, s22  }
0x39: {  	p1 =	sne.s32 s22, $0x80  }
.Ltmp4:
0x3a: {  	_ = 	snop;
	(pc) =	sbr.rel @p1 .LBB1_3-.Ltmp4, $2  }
0x3b: {  	_ =	sdelay $0x2  }
0x3c: {  	[tilespmem:s23+$0x0 ss:$0x810] =	vst.msk $0xff, v1;
	s20 =	sadd.s32 $0x80, s20;
	s21 =	sadd.s32 $0x1, s21  }
0x3d: {  	s20 =	sand.u32 $0x78, s16;
	s21 =	sshll.u32 s18, $0xA  }
0x3e: {  	s22 =	sshll.u32 s16, $0x3;
	s28 =	sshll.u32 s18, $0x7;
	s17 =	sshll.u32 s17, $0x10  }
0x3f: {  	s15 =	sshll.u32 s15, $0xB;
	s30 =	sand.u32 $0x7, s16;
	s21 =	sand.u32 $0x2000, s21  }
0x40: {  	s22 =	sand.u32 $0x3C00, s22;
	s18 =	sand.u32 $0x380, s28;
	s17 =	sadd.s32 s2, s17  }
.Ltmp5:
0x41: {  	s21 =	sadd.s32 s22, s21;
	s18 =	sor.u32 s20, s18;
	(pc) =	sbr.rel .LBB1_7-.Ltmp5, $4  }
0x42: {  	s15 =	sadd.s32 s15, s17;
	s29 =	sshrl.u32 s21, $0x3;
	s18 =	sshrl.u32 s18, $0x3  }
0x43: {  	s16 =	sshll.u32 s30, $0x12;
	s31 =	sand.u32 $0x780, s29;
	s15 =	sadd.s32 s18, s15  }
0x44: {  	s16 =	sor.u32 $0x400, s16;
	s15 =	sadd.s32 s31, s15  }
0x45: {  	[hbm4b:s15+s16] =	stream.strided.scatter [tilespmem:s19], [sflag:$0x2], $0x4000, s9, s16, $0x20;
	[tilespmem:$0x10100] =	vst v63  }
.LBB1_8:
0x46: {  	_ =	sfence.sel $0x180000  }
0x47: {  	s2 =	simm.s32 $0x1;
	[bflag:$0x0] =	sbarrier.arrive $0xFFFF  }
0x48: {  	s31 =	simm.s32 $0x2;
	[sflag:s2] =	ssyncpa.u1 $0x1  }
0x49: {  	[sflag:s31] =	ssyncpa.u1 $0x1  }
0x4a: {  	p0 =	sne.s32 s0, $0x0;
	_ =	strace $0x90000047  }
0x4b: {  	s0 =	sadd.s32 @!p0 $0x100000, s1;
	[bflag:$0x2] =	sbarrier.arrive $0xFFFF  }
0x4c: {  	[sflag:s0] =	ssyncadd.tile.s32 @!p0 $0x1;
	_ =	shalt  }
.Lfunc_end1:
_tile_overlayer_lowered:
.L_overlay_start_2:
0x4d: {  	(tag) =	ssettag $0x2  }
0x4e: {  	s0 =	rddreg [dreg:$0x0];
	s2 =	stileid.u32  }
0x4f: {  	s1 =	rddreg [dreg:$0x1];
	p0 =	sne.s32 s2, $0x0  }
0x50: {  	s3 =	rddreg [dreg:$0x2];
	[bflag:$0x3] =	sbarrier.arrive $0xFFFF;
	s2 =	simm.s32 @!p0 $0x1C01  }
0x51: {  	[timem:s3], [sflag:s2] =	dma.local @!p0 [hbm:s0], s1  }
0x52: {  	s0 =	simm.s32 @!p0 $0x1  }
0x53: {  	_ =	swait.ge @!p0 [sflag:s0], s1  }
0x54: {  	s1 =	ssub.s32 @!p0 $0x0, s1;
	[sflag:s0] =	ssyncset.done @!p0 $0x0  }
0x55: {  	[sflag:s0] =	ssyncadd.s32 @!p0 s1  }
0x56: {  	[bflag:$0x3] =	sbarrier.arrive $0xFFFF  }
0x57: {  	_ =	shalt  }

</sc_bundles>
